<compile_context>
chip_gen: v7x
topology: tpu7x:2x2x1
jax: 0.10.2.dev20260603
libtpu: 0.0.44.dev20260713+nightly
codegen_flags: <defaults>
</compile_context>

<pallas_src>
import functools

import jax
import jax.numpy as jnp
from jax import lax
from jax.experimental import pallas as pl
from jax.experimental.pallas import tpu as pltpu
from jax.experimental.pallas import tpu_sc as plsc

ALPHA = 0.5
_ISCLOSE_THR = 1e-8 + 1e-5 * 2.0

_B, _L, _D, _V = 1024, 50, 128, 1000
_N = _B * _L
_NW = 16
_CHUNK = _N // _NW


def _pred_body(w1_ref, b1_ref, w2_ref, b2_ref, o_ref):
    t = 2.0 * w1_ref[...] + b1_ref[...]
    h = jnp.tanh(t)
    logits = jnp.dot(h, w2_ref[...],
                     preferred_element_type=jnp.float32) + b2_ref[...]
    m = jnp.max(logits)
    col = lax.broadcasted_iota(jnp.int32, logits.shape, 1)
    p_idx = jnp.min(jnp.where(logits == m, col, jnp.int32(2 ** 30)))
    o_ref[...] = jnp.full((1, 16), p_idx.astype(jnp.float32), jnp.float32)


def _sc_body(xf, rf, p_hbm, out_hbm, p_v, x_v, r_v, o_v, sem_p, sem_x, sem_r):
    s = lax.axis_index("s")
    wid = s

    cp_p = pltpu.async_copy(p_hbm, p_v, sem_p)
    cp_x = pltpu.async_copy(xf.at[pl.ds(wid * _CHUNK, _CHUNK)], x_v, sem_x)
    cp_r = pltpu.async_copy(rf.at[pl.ds(wid * _CHUNK, _CHUNK)], r_v, sem_r)
    cp_p.wait()
    pred = p_v[...][0]
    cp_x.wait()
    cp_r.wait()

    def sel_body(t, _):
        for u in range(8):
            sl = pl.ds((t * 8 + u) * 16, 16)
            x = x_v[sl]
            cond = (jnp.abs(x - 2.0) <= _ISCLOSE_THR) & (r_v[sl] < ALPHA)
            o_v[sl] = jnp.where(cond, pred, x)
        return 0

    lax.fori_loop(0, _CHUNK // 128, sel_body, 0)
    pltpu.sync_copy(o_v, out_hbm.at[pl.ds(wid * _CHUNK, _CHUNK)])


@jax.jit
def _run(xf, rf, w1, b1, w2, b2):
    p16 = pl.pallas_call(
        _pred_body,
        out_shape=jax.ShapeDtypeStruct((1, 16), jnp.float32),
    )(w1.reshape(1, -1), b1.reshape(1, -1), w2, b2.reshape(1, -1))

    mesh = plsc.VectorSubcoreMesh(core_axis_name="c", subcore_axis_name="s",
                                  num_cores=1)
    f = functools.partial(
        pl.kernel, _sc_body, mesh=mesh,
        out_type=jax.ShapeDtypeStruct((_N,), jnp.float32),
        scratch_types=[
            pltpu.VMEM((16,), jnp.float32),
            pltpu.VMEM((_CHUNK,), jnp.float32),
            pltpu.VMEM((_CHUNK,), jnp.float32),
            pltpu.VMEM((_CHUNK,), jnp.float32),
            pltpu.SemaphoreType.DMA,
            pltpu.SemaphoreType.DMA,
            pltpu.SemaphoreType.DMA,
        ],
    )()
    return f(xf, rf, p16.reshape(16))


def kernel(X, rand_vals, w1, b1, w2, b2):
    out = _run(X.reshape(-1), rand_vals.reshape(-1), w1, b1, w2, b2)
    return out.reshape(X.shape)

# --- scband reference (transcript-rebuilt; emitter-appended) ---
"""Pipeline reference for scband-unmasker-41102837022964 (READ-ONLY COPY).

The authoritative reference and input builder live on the scoring server;
editing this copy changes nothing except your own understanding.
"""

import jax, jax.numpy as jnp
import numpy as np

ALPHA = 0.5
B, L, D, V = 1024, 50, 128, 1000


def setup_inputs(seed: int = 0) -> dict:
    key = jax.random.key(seed)
    k1, k2, k3, k4, k5 = jax.random.split(key, 5)
    # X holds token ids as floats; value 2.0 is the [MASK] token.
    X = jax.random.randint(k1, (B, L), 0, V).astype(jnp.float32)
    mask_tok = jax.random.uniform(k2, (B, L)) < 0.3
    X = jnp.where(mask_tok, 2.0, X)
    # rand_vals replaces torch.rand_like(X) so the reference is deterministic.
    rand_vals = jax.random.uniform(k3, (B, L), dtype=jnp.float32)
    # Parameters of the wrapped `model` (tiny MLP mapping token scalar -> vocab logits).
    w1 = jax.random.normal(k4, (D,), dtype=jnp.float32) * 0.02
    b1 = jnp.zeros((D,), dtype=jnp.float32)
    w2 = jax.random.normal(k5, (D, V), dtype=jnp.float32) * 0.02
    b2 = jnp.zeros((V,), dtype=jnp.float32)
    return {"X": X, "rand_vals": rand_vals, "w1": w1, "b1": b1, "w2": w2, "b2": b2}


def _model(X, w1, b1, w2, b2):
    # self.model(X): [B, L] -> [B, L, V]
    h = jnp.tanh(X[..., None] * w1[None, None, :] + b1[None, None, :])
    return h @ w2 + b2[None, None, :]


def reference(X, rand_vals, w1, b1, w2, b2):
    y_pred = _model(X, w1, b1, w2, b2)                 # [B, L, V]
    mask = rand_vals < ALPHA                           # torch.rand_like(X) < self.alpha
    cond = jnp.isclose(X, 2.0) & mask                  # torch.isclose(X, 2) & mask
    preds = jnp.argmax(y_pred, axis=2).astype(X.dtype)  # y_pred[...].argmax(dim=2)
    # X_unmasked = X.clone(); X_unmasked[cond] = preds[cond]
    X_unmasked = jnp.where(cond, preds, X)
    return X_unmasked

if __name__ == "__main__":
    import jax
    _d = setup_inputs()
    print(jax.jit(kernel)(*tuple(_d.values())))

</pallas_src>

<mosaic_0001>
#map = affine_map<(d0, d1) -> (0)>
module attributes {stable_mosaic.version = 14 : i64} {
  func.func @_sc_body(%arg0: i32, %arg1: i32, %arg2: memref<51200xf32, #tpu.memory_space<hbm>>, %arg3: memref<51200xf32, #tpu.memory_space<hbm>>, %arg4: memref<16xf32, #tpu.memory_space<hbm>>, %arg5: memref<51200xf32, #tpu.memory_space<hbm>>, %arg6: memref<16xf32, #tpu.memory_space<vmem>>, %arg7: memref<3200xf32, #tpu.memory_space<vmem>>, %arg8: memref<3200xf32, #tpu.memory_space<vmem>>, %arg9: memref<3200xf32, #tpu.memory_space<vmem>>, %arg10: memref<!tpu.dma_semaphore, #tpu.memory_space<semaphore_mem>>, %arg11: memref<!tpu.dma_semaphore, #tpu.memory_space<semaphore_mem>>, %arg12: memref<!tpu.dma_semaphore, #tpu.memory_space<semaphore_mem>>) attributes {dimension_semantics = [#tpu.dimension_semantics<core_parallel>, #tpu.dimension_semantics<subcore_parallel>], iteration_bounds = array<i64: 1, 16>, scalar_prefetch = 0 : i64, scratch_operands = 7 : i64, tpu.core_type = #tpu.core_type<sc_vector_subcore>, window_params = [{transform_indices = #map}, {transform_indices = #map}, {transform_indices = #map}, {transform_indices = #map}]} {
    tpu.enqueue_dma source(%arg4 : memref<16xf32, #tpu.memory_space<hbm>>) target(%arg6 : memref<16xf32, #tpu.memory_space<vmem>>) target_semaphore(%arg10 : memref<!tpu.dma_semaphore, #tpu.memory_space<semaphore_mem>>)
    %mul3A = arith.constant 3200 : i32
    %mul3A_0 = arith.muli %arg1, %mul3A : i32
    %dma_start3A = tpu.memref_slice %arg2[%mul3A_0] : memref<51200xf32, #tpu.memory_space<hbm>> -> memref<3200xf32, #tpu.memory_space<hbm>>
    %dma_start3A_1 = tpu.memref_slice %arg2[%mul3A_0] : memref<51200xf32, #tpu.memory_space<hbm>> -> memref<3200xf32, #tpu.memory_space<hbm>>
    tpu.enqueue_dma source(%dma_start3A_1 : memref<3200xf32, #tpu.memory_space<hbm>>) target(%arg7 : memref<3200xf32, #tpu.memory_space<vmem>>) target_semaphore(%arg11 : memref<!tpu.dma_semaphore, #tpu.memory_space<semaphore_mem>>)
    %mul3A_2 = arith.constant 3200 : i32
    %mul3A_3 = arith.muli %arg1, %mul3A_2 : i32
    %dma_start3A_4 = tpu.memref_slice %arg3[%mul3A_3] : memref<51200xf32, #tpu.memory_space<hbm>> -> memref<3200xf32, #tpu.memory_space<hbm>>
    %dma_start3A_5 = tpu.memref_slice %arg3[%mul3A_3] : memref<51200xf32, #tpu.memory_space<hbm>> -> memref<3200xf32, #tpu.memory_space<hbm>>
    tpu.enqueue_dma source(%dma_start3A_5 : memref<3200xf32, #tpu.memory_space<hbm>>) target(%arg8 : memref<3200xf32, #tpu.memory_space<vmem>>) target_semaphore(%arg12 : memref<!tpu.dma_semaphore, #tpu.memory_space<semaphore_mem>>)
    tpu.wait_dma2 semaphore(%arg10 : memref<!tpu.dma_semaphore, #tpu.memory_space<semaphore_mem>>) src(%arg4 : memref<16xf32, #tpu.memory_space<hbm>>) dst(%arg6 : memref<16xf32, #tpu.memory_space<vmem>>)
    %get3A = arith.constant 0 : index
    %get3A_6 = tpu.vector_load %arg6[%get3A] {strides = array<i32>} : memref<16xf32, #tpu.memory_space<vmem>>, vector<16xf32>,
    %get3A_7 = vector.shape_cast %get3A_6 : vector<16xf32> to vector<16xf32>
    %slice3A = vector.extract_strided_slice %get3A_7 {offsets = [0], sizes = [1], strides = [1]} : vector<16xf32> to vector<1xf32>
    %squeeze3A = vector.extract %slice3A[0] : f32 from vector<1xf32>
    %dma_wait3A = tpu.memref_slice %arg2[%mul3A_0] : memref<51200xf32, #tpu.memory_space<hbm>> -> memref<3200xf32, #tpu.memory_space<hbm>>
    %dma_wait3A_8 = tpu.memref_slice %arg2[%mul3A_0] : memref<51200xf32, #tpu.memory_space<hbm>> -> memref<3200xf32, #tpu.memory_space<hbm>>
    tpu.wait_dma2 semaphore(%arg11 : memref<!tpu.dma_semaphore, #tpu.memory_space<semaphore_mem>>) src(%dma_wait3A_8 : memref<3200xf32, #tpu.memory_space<hbm>>) dst(%arg7 : memref<3200xf32, #tpu.memory_space<vmem>>)
    %dma_wait3A_9 = tpu.memref_slice %arg3[%mul3A_3] : memref<51200xf32, #tpu.memory_space<hbm>> -> memref<3200xf32, #tpu.memory_space<hbm>>
    %dma_wait3A_10 = tpu.memref_slice %arg3[%mul3A_3] : memref<51200xf32, #tpu.memory_space<hbm>> -> memref<3200xf32, #tpu.memory_space<hbm>>
    tpu.wait_dma2 semaphore(%arg12 : memref<!tpu.dma_semaphore, #tpu.memory_space<semaphore_mem>>) src(%dma_wait3A_10 : memref<3200xf32, #tpu.memory_space<hbm>>) dst(%arg8 : memref<3200xf32, #tpu.memory_space<vmem>>)
    %scan3A = arith.constant 0 : i32
    %scan3A_11 = arith.constant 0 : i32
    %scan3A_12 = arith.constant 25 : i32
    %scan3A_13 = arith.addi %scan3A_11, %scan3A_12 : i32
    %scan3A_14 = arith.constant 1 : i32
    %scan3A_15 = scf.for %scan3A_19 = %scan3A_11 to %scan3A_13 step %scan3A_14 iter_args(%scan3A_20 = %scan3A) -> (i32)  : i32 {
      %mul3A_21 = arith.constant 8 : i32
      %mul3A_22 = arith.muli %scan3A_19, %mul3A_21 : i32
      %add3A = arith.constant 0 : i32
      %add3A_23 = arith.addi %mul3A_22, %add3A : i32
      %mul3A_24 = arith.constant 16 : i32
      %mul3A_25 = arith.muli %add3A_23, %mul3A_24 : i32
      %get3A_26 = arith.index_cast %mul3A_25 : i32 to index
      %get3A_27 = tpu.vector_load %arg7[%get3A_26] {strides = array<i32>} : memref<3200xf32, #tpu.memory_space<vmem>>, vector<16xf32>,
      %get3A_28 = vector.shape_cast %get3A_27 : vector<16xf32> to vector<16xf32>
      %sub3A = arith.constant 2.000000e+00 : f32
      %sub3A_29 = vector.broadcast %sub3A : f32 to vector<16xf32>
      %sub3A_30 = arith.subf %get3A_28, %sub3A_29 : vector<16xf32>
      %abs3A = math.absf %sub3A_30 : vector<16xf32>
      %le3A = arith.constant 2.001000e-05 : f32
      %le3A_31 = vector.broadcast %le3A : f32 to vector<16xf32>
      %le3A_32 = arith.cmpf ole, %abs3A, %le3A_31 : vector<16xf32>
      %get3A_33 = arith.index_cast %mul3A_25 : i32 to index
      %get3A_34 = tpu.vector_load %arg8[%get3A_33] {strides = array<i32>} : memref<3200xf32, #tpu.memory_space<vmem>>, vector<16xf32>,
      %get3A_35 = vector.shape_cast %get3A_34 : vector<16xf32> to vector<16xf32>
      %lt3A = arith.constant 5.000000e-01 : f32
      %lt3A_36 = vector.broadcast %lt3A : f32 to vector<16xf32>
      %lt3A_37 = arith.cmpf olt, %get3A_35, %lt3A_36 : vector<16xf32>
      %and3A = arith.andi %le3A_32, %lt3A_37 : vector<16xi1>
      %broadcast_in_dim3A = vector.broadcast %squeeze3A : f32 to vector<16xf32>
      %select_n3A = arith.select %and3A, %broadcast_in_dim3A, %get3A_28 : vector<16xi1>, vector<16xf32>
      %swap3A = arith.index_cast %mul3A_25 : i32 to index
      %swap3A_38 = tpu.vector_load %arg9[%swap3A] {strides = array<i32>} : memref<3200xf32, #tpu.memory_space<vmem>>, vector<16xf32>,
      %swap3A_39 = vector.shape_cast %swap3A_38 : vector<16xf32> to vector<16xf32>
      %swap3A_40 = vector.shape_cast %select_n3A : vector<16xf32> to vector<16xf32>
      tpu.vector_store %arg9[%swap3A], %swap3A_40 {strides = array<i32>} : memref<3200xf32, #tpu.memory_space<vmem>>, vector<16xf32>,
      %mul3A_41 = arith.constant 8 : i32
      %mul3A_42 = arith.muli %scan3A_19, %mul3A_41 : i32
      %add3A_43 = arith.constant 1 : i32
      %add3A_44 = arith.addi %mul3A_42, %add3A_43 : i32
      %mul3A_45 = arith.constant 16 : i32
      %mul3A_46 = arith.muli %add3A_44, %mul3A_45 : i32
      %get3A_47 = arith.index_cast %mul3A_46 : i32 to index
      %get3A_48 = tpu.vector_load %arg7[%get3A_47] {strides = array<i32>} : memref<3200xf32, #tpu.memory_space<vmem>>, vector<16xf32>,
      %get3A_49 = vector.shape_cast %get3A_48 : vector<16xf32> to vector<16xf32>
      %sub3A_50 = arith.constant 2.000000e+00 : f32
      %sub3A_51 = vector.broadcast %sub3A_50 : f32 to vector<16xf32>
      %sub3A_52 = arith.subf %get3A_49, %sub3A_51 : vector<16xf32>
      %abs3A_53 = math.absf %sub3A_52 : vector<16xf32>
      %le3A_54 = arith.constant 2.001000e-05 : f32
      %le3A_55 = vector.broadcast %le3A_54 : f32 to vector<16xf32>
      %le3A_56 = arith.cmpf ole, %abs3A_53, %le3A_55 : vector<16xf32>
      %get3A_57 = arith.index_cast %mul3A_46 : i32 to index
      %get3A_58 = tpu.vector_load %arg8[%get3A_57] {strides = array<i32>} : memref<3200xf32, #tpu.memory_space<vmem>>, vector<16xf32>,
      %get3A_59 = vector.shape_cast %get3A_58 : vector<16xf32> to vector<16xf32>
      %lt3A_60 = arith.constant 5.000000e-01 : f32
      %lt3A_61 = vector.broadcast %lt3A_60 : f32 to vector<16xf32>
      %lt3A_62 = arith.cmpf olt, %get3A_59, %lt3A_61 : vector<16xf32>
      %and3A_63 = arith.andi %le3A_56, %lt3A_62 : vector<16xi1>
      %broadcast_in_dim3A_64 = vector.broadcast %squeeze3A : f32 to vector<16xf32>
      %select_n3A_65 = arith.select %and3A_63, %broadcast_in_dim3A_64, %get3A_49 : vector<16xi1>, vector<16xf32>
      %swap3A_66 = arith.index_cast %mul3A_46 : i32 to index
      %swap3A_67 = tpu.vector_load %arg9[%swap3A_66] {strides = array<i32>} : memref<3200xf32, #tpu.memory_space<vmem>>, vector<16xf32>,
      %swap3A_68 = vector.shape_cast %swap3A_67 : vector<16xf32> to vector<16xf32>
      %swap3A_69 = vector.shape_cast %select_n3A_65 : vector<16xf32> to vector<16xf32>
      tpu.vector_store %arg9[%swap3A_66], %swap3A_69 {strides = array<i32>} : memref<3200xf32, #tpu.memory_space<vmem>>, vector<16xf32>,
      %mul3A_70 = arith.constant 8 : i32
      %mul3A_71 = arith.muli %scan3A_19, %mul3A_70 : i32
      %add3A_72 = arith.constant 2 : i32
      %add3A_73 = arith.addi %mul3A_71, %add3A_72 : i32
      %mul3A_74 = arith.constant 16 : i32
      %mul3A_75 = arith.muli %add3A_73, %mul3A_74 : i32
      %get3A_76 = arith.index_cast %mul3A_75 : i32 to index
      %get3A_77 = tpu.vector_load %arg7[%get3A_76] {strides = array<i32>} : memref<3200xf32, #tpu.memory_space<vmem>>, vector<16xf32>,
      %get3A_78 = vector.shape_cast %get3A_77 : vector<16xf32> to vector<16xf32>
      %sub3A_79 = arith.constant 2.000000e+00 : f32
      %sub3A_80 = vector.broadcast %sub3A_79 : f32 to vector<16xf32>
      %sub3A_81 = arith.subf %get3A_78, %sub3A_80 : vector<16xf32>
      %abs3A_82 = math.absf %sub3A_81 : vector<16xf32>
      %le3A_83 = arith.constant 2.001000e-05 : f32
      %le3A_84 = vector.broadcast %le3A_83 : f32 to vector<16xf32>
      %le3A_85 = arith.cmpf ole, %abs3A_82, %le3A_84 : vector<16xf32>
      %get3A_86 = arith.index_cast %mul3A_75 : i32 to index
      %get3A_87 = tpu.vector_load %arg8[%get3A_86] {strides = array<i32>} : memref<3200xf32, #tpu.memory_space<vmem>>, vector<16xf32>,
      %get3A_88 = vector.shape_cast %get3A_87 : vector<16xf32> to vector<16xf32>
      %lt3A_89 = arith.constant 5.000000e-01 : f32
      %lt3A_90 = vector.broadcast %lt3A_89 : f32 to vector<16xf32>
      %lt3A_91 = arith.cmpf olt, %get3A_88, %lt3A_90 : vector<16xf32>
      %and3A_92 = arith.andi %le3A_85, %lt3A_91 : vector<16xi1>
      %broadcast_in_dim3A_93 = vector.broadcast %squeeze3A : f32 to vector<16xf32>
      %select_n3A_94 = arith.select %and3A_92, %broadcast_in_dim3A_93, %get3A_78 : vector<16xi1>, vector<16xf32>
      %swap3A_95 = arith.index_cast %mul3A_75 : i32 to index
      %swap3A_96 = tpu.vector_load %arg9[%swap3A_95] {strides = array<i32>} : memref<3200xf32, #tpu.memory_space<vmem>>, vector<16xf32>,
      %swap3A_97 = vector.shape_cast %swap3A_96 : vector<16xf32> to vector<16xf32>
      %swap3A_98 = vector.shape_cast %select_n3A_94 : vector<16xf32> to vector<16xf32>
      tpu.vector_store %arg9[%swap3A_95], %swap3A_98 {strides = array<i32>} : memref<3200xf32, #tpu.memory_space<vmem>>, vector<16xf32>,
      %mul3A_99 = arith.constant 8 : i32
      %mul3A_100 = arith.muli %scan3A_19, %mul3A_99 : i32
      %add3A_101 = arith.constant 3 : i32
      %add3A_102 = arith.addi %mul3A_100, %add3A_101 : i32
      %mul3A_103 = arith.constant 16 : i32
      %mul3A_104 = arith.muli %add3A_102, %mul3A_103 : i32
      %get3A_105 = arith.index_cast %mul3A_104 : i32 to index
      %get3A_106 = tpu.vector_load %arg7[%get3A_105] {strides = array<i32>} : memref<3200xf32, #tpu.memory_space<vmem>>, vector<16xf32>,
      %get3A_107 = vector.shape_cast %get3A_106 : vector<16xf32> to vector<16xf32>
      %sub3A_108 = arith.constant 2.000000e+00 : f32
      %sub3A_109 = vector.broadcast %sub3A_108 : f32 to vector<16xf32>
      %sub3A_110 = arith.subf %get3A_107, %sub3A_109 : vector<16xf32>
      %abs3A_111 = math.absf %sub3A_110 : vector<16xf32>
      %le3A_112 = arith.constant 2.001000e-05 : f32
      %le3A_113 = vector.broadcast %le3A_112 : f32 to vector<16xf32>
      %le3A_114 = arith.cmpf ole, %abs3A_111, %le3A_113 : vector<16xf32>
      %get3A_115 = arith.index_cast %mul3A_104 : i32 to index
      %get3A_116 = tpu.vector_load %arg8[%get3A_115] {strides = array<i32>} : memref<3200xf32, #tpu.memory_space<vmem>>, vector<16xf32>,
      %get3A_117 = vector.shape_cast %get3A_116 : vector<16xf32> to vector<16xf32>
      %lt3A_118 = arith.constant 5.000000e-01 : f32
      %lt3A_119 = vector.broadcast %lt3A_118 : f32 to vector<16xf32>
      %lt3A_120 = arith.cmpf olt, %get3A_117, %lt3A_119 : vector<16xf32>
      %and3A_121 = arith.andi %le3A_114, %lt3A_120 : vector<16xi1>
      %broadcast_in_dim3A_122 = vector.broadcast %squeeze3A : f32 to vector<16xf32>
      %select_n3A_123 = arith.select %and3A_121, %broadcast_in_dim3A_122, %get3A_107 : vector<16xi1>, vector<16xf32>
      %swap3A_124 = arith.index_cast %mul3A_104 : i32 to index
      %swap3A_125 = tpu.vector_load %arg9[%swap3A_124] {strides = array<i32>} : memref<3200xf32, #tpu.memory_space<vmem>>, vector<16xf32>,
      %swap3A_126 = vector.shape_cast %swap3A_125 : vector<16xf32> to vector<16xf32>
      %swap3A_127 = vector.shape_cast %select_n3A_123 : vector<16xf32> to vector<16xf32>
      tpu.vector_store %arg9[%swap3A_124], %swap3A_127 {strides = array<i32>} : memref<3200xf32, #tpu.memory_space<vmem>>, vector<16xf32>,
      %mul3A_128 = arith.constant 8 : i32
      %mul3A_129 = arith.muli %scan3A_19, %mul3A_128 : i32
      %add3A_130 = arith.constant 4 : i32
      %add3A_131 = arith.addi %mul3A_129, %add3A_130 : i32
      %mul3A_132 = arith.constant 16 : i32
      %mul3A_133 = arith.muli %add3A_131, %mul3A_132 : i32
      %get3A_134 = arith.index_cast %mul3A_133 : i32 to index
      %get3A_135 = tpu.vector_load %arg7[%get3A_134] {strides = array<i32>} : memref<3200xf32, #tpu.memory_space<vmem>>, vector<16xf32>,
      %get3A_136 = vector.shape_cast %get3A_135 : vector<16xf32> to vector<16xf32>
      %sub3A_137 = arith.constant 2.000000e+00 : f32
      %sub3A_138 = vector.broadcast %sub3A_137 : f32 to vector<16xf32>
      %sub3A_139 = arith.subf %get3A_136, %sub3A_138 : vector<16xf32>
      %abs3A_140 = math.absf %sub3A_139 : vector<16xf32>
      %le3A_141 = arith.constant 2.001000e-05 : f32
      %le3A_142 = vector.broadcast %le3A_141 : f32 to vector<16xf32>
      %le3A_143 = arith.cmpf ole, %abs3A_140, %le3A_142 : vector<16xf32>
      %get3A_144 = arith.index_cast %mul3A_133 : i32 to index
      %get3A_145 = tpu.vector_load %arg8[%get3A_144] {strides = array<i32>} : memref<3200xf32, #tpu.memory_space<vmem>>, vector<16xf32>,
      %get3A_146 = vector.shape_cast %get3A_145 : vector<16xf32> to vector<16xf32>
      %lt3A_147 = arith.constant 5.000000e-01 : f32
      %lt3A_148 = vector.broadcast %lt3A_147 : f32 to vector<16xf32>
      %lt3A_149 = arith.cmpf olt, %get3A_146, %lt3A_148 : vector<16xf32>
      %and3A_150 = arith.andi %le3A_143, %lt3A_149 : vector<16xi1>
      %broadcast_in_dim3A_151 = vector.broadcast %squeeze3A : f32 to vector<16xf32>
      %select_n3A_152 = arith.select %and3A_150, %broadcast_in_dim3A_151, %get3A_136 : vector<16xi1>, vector<16xf32>
      %swap3A_153 = arith.index_cast %mul3A_133 : i32 to index
      %swap3A_154 = tpu.vector_load %arg9[%swap3A_153] {strides = array<i32>} : memref<3200xf32, #tpu.memory_space<vmem>>, vector<16xf32>,
      %swap3A_155 = vector.shape_cast %swap3A_154 : vector<16xf32> to vector<16xf32>
      %swap3A_156 = vector.shape_cast %select_n3A_152 : vector<16xf32> to vector<16xf32>
      tpu.vector_store %arg9[%swap3A_153], %swap3A_156 {strides = array<i32>} : memref<3200xf32, #tpu.memory_space<vmem>>, vector<16xf32>,
      %mul3A_157 = arith.constant 8 : i32
      %mul3A_158 = arith.muli %scan3A_19, %mul3A_157 : i32
      %add3A_159 = arith.constant 5 : i32
      %add3A_160 = arith.addi %mul3A_158, %add3A_159 : i32
      %mul3A_161 = arith.constant 16 : i32
      %mul3A_162 = arith.muli %add3A_160, %mul3A_161 : i32
      %get3A_163 = arith.index_cast %mul3A_162 : i32 to index
      %get3A_164 = tpu.vector_load %arg7[%get3A_163] {strides = array<i32>} : memref<3200xf32, #tpu.memory_space<vmem>>, vector<16xf32>,
      %get3A_165 = vector.shape_cast %get3A_164 : vector<16xf32> to vector<16xf32>
      %sub3A_166 = arith.constant 2.000000e+00 : f32
      %sub3A_167 = vector.broadcast %sub3A_166 : f32 to vector<16xf32>
      %sub3A_168 = arith.subf %get3A_165, %sub3A_167 : vector<16xf32>
      %abs3A_169 = math.absf %sub3A_168 : vector<16xf32>
      %le3A_170 = arith.constant 2.001000e-05 : f32
      %le3A_171 = vector.broadcast %le3A_170 : f32 to vector<16xf32>
      %le3A_172 = arith.cmpf ole, %abs3A_169, %le3A_171 : vector<16xf32>
      %get3A_173 = arith.index_cast %mul3A_162 : i32 to index
      %get3A_174 = tpu.vector_load %arg8[%get3A_173] {strides = array<i32>} : memref<3200xf32, #tpu.memory_space<vmem>>, vector<16xf32>,
      %get3A_175 = vector.shape_cast %get3A_174 : vector<16xf32> to vector<16xf32>
      %lt3A_176 = arith.constant 5.000000e-01 : f32
      %lt3A_177 = vector.broadcast %lt3A_176 : f32 to vector<16xf32>
      %lt3A_178 = arith.cmpf olt, %get3A_175, %lt3A_177 : vector<16xf32>
      %and3A_179 = arith.andi %le3A_172, %lt3A_178 : vector<16xi1>
      %broadcast_in_dim3A_180 = vector.broadcast %squeeze3A : f32 to vector<16xf32>
      %select_n3A_181 = arith.select %and3A_179, %broadcast_in_dim3A_180, %get3A_165 : vector<16xi1>, vector<16xf32>
      %swap3A_182 = arith.index_cast %mul3A_162 : i32 to index
      %swap3A_183 = tpu.vector_load %arg9[%swap3A_182] {strides = array<i32>} : memref<3200xf32, #tpu.memory_space<vmem>>, vector<16xf32>,
      %swap3A_184 = vector.shape_cast %swap3A_183 : vector<16xf32> to vector<16xf32>
      %swap3A_185 = vector.shape_cast %select_n3A_181 : vector<16xf32> to vector<16xf32>
      tpu.vector_store %arg9[%swap3A_182], %swap3A_185 {strides = array<i32>} : memref<3200xf32, #tpu.memory_space<vmem>>, vector<16xf32>,
      %mul3A_186 = arith.constant 8 : i32
      %mul3A_187 = arith.muli %scan3A_19, %mul3A_186 : i32
      %add3A_188 = arith.constant 6 : i32
      %add3A_189 = arith.addi %mul3A_187, %add3A_188 : i32
      %mul3A_190 = arith.constant 16 : i32
      %mul3A_191 = arith.muli %add3A_189, %mul3A_190 : i32
      %get3A_192 = arith.index_cast %mul3A_191 : i32 to index
      %get3A_193 = tpu.vector_load %arg7[%get3A_192] {strides = array<i32>} : memref<3200xf32, #tpu.memory_space<vmem>>, vector<16xf32>,
      %get3A_194 = vector.shape_cast %get3A_193 : vector<16xf32> to vector<16xf32>
      %sub3A_195 = arith.constant 2.000000e+00 : f32
      %sub3A_196 = vector.broadcast %sub3A_195 : f32 to vector<16xf32>
      %sub3A_197 = arith.subf %get3A_194, %sub3A_196 : vector<16xf32>
      %abs3A_198 = math.absf %sub3A_197 : vector<16xf32>
      %le3A_199 = arith.constant 2.001000e-05 : f32
      %le3A_200 = vector.broadcast %le3A_199 : f32 to vector<16xf32>
      %le3A_201 = arith.cmpf ole, %abs3A_198, %le3A_200 : vector<16xf32>
      %get3A_202 = arith.index_cast %mul3A_191 : i32 to index
      %get3A_203 = tpu.vector_load %arg8[%get3A_202] {strides = array<i32>} : memref<3200xf32, #tpu.memory_space<vmem>>, vector<16xf32>,
      %get3A_204 = vector.shape_cast %get3A_203 : vector<16xf32> to vector<16xf32>
      %lt3A_205 = arith.constant 5.000000e-01 : f32
      %lt3A_206 = vector.broadcast %lt3A_205 : f32 to vector<16xf32>
      %lt3A_207 = arith.cmpf olt, %get3A_204, %lt3A_206 : vector<16xf32>
      %and3A_208 = arith.andi %le3A_201, %lt3A_207 : vector<16xi1>
      %broadcast_in_dim3A_209 = vector.broadcast %squeeze3A : f32 to vector<16xf32>
      %select_n3A_210 = arith.select %and3A_208, %broadcast_in_dim3A_209, %get3A_194 : vector<16xi1>, vector<16xf32>
      %swap3A_211 = arith.index_cast %mul3A_191 : i32 to index
      %swap3A_212 = tpu.vector_load %arg9[%swap3A_211] {strides = array<i32>} : memref<3200xf32, #tpu.memory_space<vmem>>, vector<16xf32>,
      %swap3A_213 = vector.shape_cast %swap3A_212 : vector<16xf32> to vector<16xf32>
      %swap3A_214 = vector.shape_cast %select_n3A_210 : vector<16xf32> to vector<16xf32>
      tpu.vector_store %arg9[%swap3A_211], %swap3A_214 {strides = array<i32>} : memref<3200xf32, #tpu.memory_space<vmem>>, vector<16xf32>,
      %mul3A_215 = arith.constant 8 : i32
      %mul3A_216 = arith.muli %scan3A_19, %mul3A_215 : i32
      %add3A_217 = arith.constant 7 : i32
      %add3A_218 = arith.addi %mul3A_216, %add3A_217 : i32
      %mul3A_219 = arith.constant 16 : i32
      %mul3A_220 = arith.muli %add3A_218, %mul3A_219 : i32
      %get3A_221 = arith.index_cast %mul3A_220 : i32 to index
      %get3A_222 = tpu.vector_load %arg7[%get3A_221] {strides = array<i32>} : memref<3200xf32, #tpu.memory_space<vmem>>, vector<16xf32>,
      %get3A_223 = vector.shape_cast %get3A_222 : vector<16xf32> to vector<16xf32>
      %sub3A_224 = arith.constant 2.000000e+00 : f32
      %sub3A_225 = vector.broadcast %sub3A_224 : f32 to vector<16xf32>
      %sub3A_226 = arith.subf %get3A_223, %sub3A_225 : vector<16xf32>
      %abs3A_227 = math.absf %sub3A_226 : vector<16xf32>
      %le3A_228 = arith.constant 2.001000e-05 : f32
      %le3A_229 = vector.broadcast %le3A_228 : f32 to vector<16xf32>
      %le3A_230 = arith.cmpf ole, %abs3A_227, %le3A_229 : vector<16xf32>
      %get3A_231 = arith.index_cast %mul3A_220 : i32 to index
      %get3A_232 = tpu.vector_load %arg8[%get3A_231] {strides = array<i32>} : memref<3200xf32, #tpu.memory_space<vmem>>, vector<16xf32>,
      %get3A_233 = vector.shape_cast %get3A_232 : vector<16xf32> to vector<16xf32>
      %lt3A_234 = arith.constant 5.000000e-01 : f32
      %lt3A_235 = vector.broadcast %lt3A_234 : f32 to vector<16xf32>
      %lt3A_236 = arith.cmpf olt, %get3A_233, %lt3A_235 : vector<16xf32>
      %and3A_237 = arith.andi %le3A_230, %lt3A_236 : vector<16xi1>
      %broadcast_in_dim3A_238 = vector.broadcast %squeeze3A : f32 to vector<16xf32>
      %select_n3A_239 = arith.select %and3A_237, %broadcast_in_dim3A_238, %get3A_223 : vector<16xi1>, vector<16xf32>
      %swap3A_240 = arith.index_cast %mul3A_220 : i32 to index
      %swap3A_241 = tpu.vector_load %arg9[%swap3A_240] {strides = array<i32>} : memref<3200xf32, #tpu.memory_space<vmem>>, vector<16xf32>,
      %swap3A_242 = vector.shape_cast %swap3A_241 : vector<16xf32> to vector<16xf32>
      %swap3A_243 = vector.shape_cast %select_n3A_239 : vector<16xf32> to vector<16xf32>
      tpu.vector_store %arg9[%swap3A_240], %swap3A_243 {strides = array<i32>} : memref<3200xf32, #tpu.memory_space<vmem>>, vector<16xf32>,
      %scan3A_244 = arith.constant 0 : i32
      scf.yield %scan3A_244 : i32
    }
    %scan3A_16 = arith.constant 25 : i32
    %mul3A_17 = arith.constant 3200 : i32
    %mul3A_18 = arith.muli %arg1, %mul3A_17 : i32
    "tpu.region"() ({
      %run_scoped3A = tpu.sem_alloc : memref<!tpu.dma_semaphore, #tpu.memory_space<semaphore_mem>>
      %dma_start3A_19 = tpu.memref_slice %arg5[%mul3A_18] : memref<51200xf32, #tpu.memory_space<hbm>> -> memref<3200xf32, #tpu.memory_space<hbm>>
      %dma_start3A_20 = tpu.memref_slice %arg5[%mul3A_18] : memref<51200xf32, #tpu.memory_space<hbm>> -> memref<3200xf32, #tpu.memory_space<hbm>>
      tpu.enqueue_dma source(%arg9 : memref<3200xf32, #tpu.memory_space<vmem>>) target(%dma_start3A_20 : memref<3200xf32, #tpu.memory_space<hbm>>) target_semaphore(%run_scoped3A : memref<!tpu.dma_semaphore, #tpu.memory_space<semaphore_mem>>)
      %dma_wait3A_21 = tpu.memref_slice %arg5[%mul3A_18] : memref<51200xf32, #tpu.memory_space<hbm>> -> memref<3200xf32, #tpu.memory_space<hbm>>
      %dma_wait3A_22 = tpu.memref_slice %arg5[%mul3A_18] : memref<51200xf32, #tpu.memory_space<hbm>> -> memref<3200xf32, #tpu.memory_space<hbm>>
      tpu.wait_dma2 semaphore(%run_scoped3A : memref<!tpu.dma_semaphore, #tpu.memory_space<semaphore_mem>>) src(%arg9 : memref<3200xf32, #tpu.memory_space<vmem>>) dst(%dma_wait3A_22 : memref<3200xf32, #tpu.memory_space<hbm>>)
      tpu.yield
    }) : () -> ()
    return
  }
}

module attributes {stable_mosaic.version = 14 : i64} {
  func.func @_pred_body(%arg0: memref<1x128xf32, #tpu.memory_space<vmem>>, %arg1: memref<1x128xf32, #tpu.memory_space<vmem>>, %arg2: memref<128x1000xf32, #tpu.memory_space<vmem>>, %arg3: memref<1x1000xf32, #tpu.memory_space<vmem>>, %arg4: memref<1x16xf32, #tpu.memory_space<vmem>>) attributes {dimension_semantics = [], scalar_prefetch = 0 : i64, scratch_operands = 0 : i64, tpu.core_type = #tpu.core_type<tc>} {
    %get3A = arith.constant 0 : index
    %get3A_0 = arith.constant 0 : index
    %get3A_1 = vector.load %arg0[%get3A, %get3A_0] : memref<1x128xf32, #tpu.memory_space<vmem>>, vector<1x128xf32>
    %mul3A = arith.constant 2.000000e+00 : f32
    %mul3A_2 = vector.broadcast %mul3A : f32 to vector<1x128xf32>
    %mul3A_3 = arith.mulf %mul3A_2, %get3A_1 : vector<1x128xf32>
    %get3A_4 = arith.constant 0 : index
    %get3A_5 = arith.constant 0 : index
    %get3A_6 = vector.load %arg1[%get3A_4, %get3A_5] : memref<1x128xf32, #tpu.memory_space<vmem>>, vector<1x128xf32>
    %add3A = arith.addf %mul3A_3, %get3A_6 : vector<1x128xf32>
    %tanh3A = math.tanh %add3A : vector<1x128xf32>
    %get3A_7 = arith.constant 0 : index
    %get3A_8 = arith.constant 0 : index
    %get3A_9 = vector.load %arg2[%get3A_7, %get3A_8] : memref<128x1000xf32, #tpu.memory_space<vmem>>, vector<128x1000xf32>
    %dot_general3A = arith.constant dense<0.000000e+00> : vector<1x1000xf32>
    %dot_general3A_10 = tpu.matmul %tanh3A, %get3A_9, %dot_general3A {dimension_numbers = #tpu.dot_dimension_numbers<[1], [0], [0], [1], [0, 0, 1, 1], [], []>, transpose_lhs_hint = false} : vector<1x128xf32>, vector<128x1000xf32>, vector<1x1000xf32> -> vector<1x1000xf32>
    %get3A_11 = arith.constant 0 : index
    %get3A_12 = arith.constant 0 : index
    %get3A_13 = vector.load %arg3[%get3A_11, %get3A_12] : memref<1x1000xf32, #tpu.memory_space<vmem>>, vector<1x1000xf32>
    %add3A_14 = arith.addf %dot_general3A_10, %get3A_13 : vector<1x1000xf32>
    %reduce_max3A = vector.shape_cast %add3A_14 : vector<1x1000xf32> to vector<1x1x1000xf32>
    %reduce_max3A_15 = arith.constant dense<0xFF800000> : vector<1xf32>
    %reduce_max3A_16 = vector.multi_reduction <maximumf>, %reduce_max3A, %reduce_max3A_15 [1, 2] : vector<1x1x1000xf32> to vector<1xf32>
    %reduce_max3A_17 = vector.shape_cast %reduce_max3A_16 : vector<1xf32> to vector<1x1x1xf32>
    %reduce_max3A_18 = vector.extract %reduce_max3A_17[0, 0, 0] : f32 from vector<1x1x1xf32>
    %iota3A = tpu.iota {dimensions = array<i32: 1>} : vector<1x1000xi32>
    %eq3A = vector.broadcast %reduce_max3A_18 : f32 to vector<1x1000xf32>
    %eq3A_19 = arith.cmpf oeq, %add3A_14, %eq3A : vector<1x1000xf32>
    %jit3A = arith.constant 1073741824 : i32
    %broadcast_in_dim3A = vector.broadcast %jit3A : i32 to vector<1x1000xi32>
    %select_n3A = arith.select %eq3A_19, %iota3A, %broadcast_in_dim3A : vector<1x1000xi1>, vector<1x1000xi32>
    %reduce_min3A = vector.shape_cast %select_n3A : vector<1x1000xi32> to vector<1x1x1000xi32>
    %reduce_min3A_20 = arith.constant dense<2147483647> : vector<1xi32>
    %reduce_min3A_21 = vector.multi_reduction <minsi>, %reduce_min3A, %reduce_min3A_20 [1, 2] : vector<1x1x1000xi32> to vector<1xi32>
    %reduce_min3A_22 = vector.shape_cast %reduce_min3A_21 : vector<1xi32> to vector<1x1x1xi32>
    %reduce_min3A_23 = vector.extract %reduce_min3A_22[0, 0, 0] : i32 from vector<1x1x1xi32>
    %convert_element_type3A = arith.sitofp %reduce_min3A_23 : i32 to f32
    %broadcast_in_dim3A_24 = vector.broadcast %convert_element_type3A : f32 to vector<1x16xf32>
    %swap3A = arith.constant 0 : index
    %swap3A_25 = arith.constant 0 : index
    %swap3A_26 = vector.load %arg4[%swap3A, %swap3A_25] : memref<1x16xf32, #tpu.memory_space<vmem>>, vector<1x16xf32>
    tpu.vector_store %arg4[%swap3A, %swap3A_25], %broadcast_in_dim3A_24 {strides = array<i32>} : memref<1x16xf32, #tpu.memory_space<vmem>>, vector<1x16xf32>,
    return
  }
}

</mosaic_0001>

<sc_bundles>
// kernel: _run.4.cloned.1.call-start
scs
__scs_entry_jumppad:
0x0: {  	(pc) =	sbr.rel $0x88, $3  }
0x1: {  	(tag) =	ssettag $0x0;
	lr =	simm.s32 $0x1  }
0x2: {  	[smem:$0x3F9B] =	sst lr;
	_ =	strace $0xD0000000  }
0x3: {  	_ = 	snop  }
0x4: {  	_ = 	snop  }
0x5: {  	_ = 	snop  }
0x6: {  	_ = 	snop  }
0x7: {  	_ = 	snop  }
__scs_overlays_trampoline_lowered:
0x8: {  	[smem:$0x3FAA] =	sst s0  }
0x9: {  	[smem:$0x3FAB] =	sst s1  }
0xa: {  	[smem:$0x3FAC] =	sst s2  }
0xb: {  	[smem:$0x3FAD] =	sst s3  }
0xc: {  	[smem:$0x3FAE] =	sst s4  }
0xd: {  	[smem:$0x3FAF] =	sst s5  }
0xe: {  	[smem:$0x3FB0] =	sst s6  }
0xf: {  	[smem:$0x3FB1] =	sst s7  }
0x10: {  	[smem:$0x3FB2] =	sst s8  }
0x11: {  	[smem:$0x3FB3] =	sst s9;
	s0 =	simm.s32 @!p0 $0x0  }
0x12: {  	s1 =	sld [smem:$0x3F99];
	s0 =	simm.s32 @p0 $0x1  }
0x13: {  	[smem:$0x3FB4] =	sst s0;
	s0 =	simm.s32 @!p1 $0x0  }
0x14: {  	s2 =	sld [smem:$0x3F98];
	s0 =	simm.s32 @p1 $0x1  }
0x15: {  	[smem:$0x3FB5] =	sst s0;
	s0 =	simm.s32 @!p2 $0x0  }
0x16: {  	s3 =	sld [smem:$0x3FDB];
	s0 =	simm.s32 @p2 $0x1  }
0x17: {  	s4 =	simm.s32 $0x1BF5;
	[smem:$0x3FB7] =	sst s0  }
0x18: {  	s0 =	sld [smem:$0x3F9A];
	_ =	swait.ge [sflag:s4], $0x0  }
0x19: {  	s7 =	sld [smem:$0x3F9B]  }
0x1a: {  	s8 =	sadd.s32 $0xFFFFE003, lr  }
0x1b: {  	s9 =	sadd.s32 $0xFFFFFEF7, lr;
	s5 =	simm.s32 $0xFFFFFFFF;
	p2 =	slt.u32 s8, $0xFFFFF086  }
0x1c: {  	p1 =	slt.u32 s9, $0xF7A;
	s5 =	simm.s32 @!p2 $0x0  }
0x1d: {  	s5 =	simm.s32 @p1 $0x1;
	p0 =	seq.s32 s7, s2  }
0x1e: {  	s7 =	smul.u32 @!p0 $0xF7A, s2;
	p2 =	seq.s32 @!p0 s5, $0x0  }
0x1f: {  	s9 =	smul.u32 $0xF7A, s1;
	s8 =	simm.s32 @!p0 $0x1BF5;
	p2 =	por !p2, p0  }
0x20: {  	[sflag:s8] =	ssyncset.s32 @!p0 $0xFFFFF086;
	s6 =	sadd.s32 @!p0 s3, s7;
	s7 =	simm.s32 @!p0 $0x108  }
0x21: {  	s3 =	sadd.s32 s3, s9;
	s6 =	sadd.s32 @!p0 $0x88, s6;
	s7 =	simm.s32 @p2 $0x1082  }
0x22: {  	[simem:s7], [sflag:s8] =	dma.local @!p0 [hbm:s6], $0xF7A  }
0x23: {  	s9 =	sor.u32 $0xD0000000, s2;
	s6 =	simm.s32 $0x108;
	_ =	swait.ge @!p0 [sflag:s8], $0x0  }
0x24: {  	s3 =	sadd.s32 $0x88, s3;
	s6 =	simm.s32 @!p1 $0x1082;
	[sflag:s4] =	ssyncset.s32 $0xFFFFF086  }
0x25: {  	[simem:s6], [sflag:s4] =	dma.local [hbm:s3], $0xF7A  }
0x26: {  	[smem:$0x3F9B] =	sst s1;
	(tag) =	ssettag s2;
	_ =	strace s9  }
0x27: {  	s1 =	sld [smem:$0x3FAB]  }
0x28: {  	s2 =	sld [smem:$0x3FAC]  }
0x29: {  	s4 =	sld [smem:$0x3FAE]  }
0x2a: {  	p0 =	seq.s32 s5, $0x0;
	s5 =	sld [smem:$0x3FAF]  }
0x2b: {  	s6 =	sld [smem:$0x3FB0]  }
0x2c: {  	s7 =	sld [smem:$0x3FB1]  }
0x2d: {  	s3 =	simm.s32 $0x108;
	s8 =	sld [smem:$0x3FB2]  }
0x2e: {  	s3 =	simm.s32 @!p0 $0x1082;
	s9 =	sld [smem:$0x3FB3]  }
0x2f: {  	lr =	sadd.s32 s0, s3;
	s0 =	sld [smem:$0x3FAA]  }
0x30: {  	s3 =	sld [smem:$0x3FAD]  }
0x31: {  	[smem:$0x3FB6] =	sst s10  }
0x32: {  	s10 =	sld [smem:$0x3FB4];
	_ =	sdelay $0x3  }
0x33: {  	p0 =	seq.s32 s10, $0x1;
	s10 =	sld [smem:$0x3FB6];
	_ =	sdelay $0x3  }
0x34: {  	[smem:$0x3FB6] =	sst s10  }
0x35: {  	s10 =	sld [smem:$0x3FB5];
	_ =	sdelay $0x3  }
0x36: {  	p1 =	seq.s32 s10, $0x1;
	s10 =	sld [smem:$0x3FB6];
	_ =	sdelay $0x3  }
0x37: {  	[smem:$0x3FB6] =	sst s10  }
0x38: {  	s10 =	sld [smem:$0x3FB7]  }
0x39: {  	_ = 	snop;
	(pc) =	sbr.ind lr, $3  }
0x3a: {  	_ = 	snop  }
0x3b: {  	_ = 	snop  }
0x3c: {  	p2 =	seq.s32 s10, $0x1;
	s10 =	sld [smem:$0x3FB6]  }
0x3d: {  	_ =	shalt  }
0x3e: {  	_ =	shalt  }
0x3f: {  	_ =	shalt  }
0x40: {  	_ =	shalt  }
0x41: {  	_ =	shalt  }
0x42: {  	_ =	shalt  }
0x43: {  	_ =	shalt  }
0x44: {  	_ =	shalt  }
0x45: {  	_ =	shalt  }
0x46: {  	_ =	shalt  }
0x47: {  	_ =	shalt  }
0x48: {  	_ =	shalt  }
0x49: {  	_ =	shalt  }
0x4a: {  	_ =	shalt  }
0x4b: {  	_ =	shalt  }
0x4c: {  	_ =	shalt  }
0x4d: {  	_ =	shalt  }
0x4e: {  	_ =	shalt  }
0x4f: {  	_ =	shalt  }
0x50: {  	_ =	shalt  }
0x51: {  	_ =	shalt  }
0x52: {  	_ =	shalt  }
0x53: {  	_ =	shalt  }
0x54: {  	_ =	shalt  }
0x55: {  	_ =	shalt  }
0x56: {  	_ =	shalt  }
0x57: {  	_ =	shalt  }
0x58: {  	_ =	shalt  }
0x59: {  	_ =	shalt  }
0x5a: {  	_ =	shalt  }
0x5b: {  	_ =	shalt  }
0x5c: {  	_ =	shalt  }
0x5d: {  	_ =	shalt  }
0x5e: {  	_ =	shalt  }
0x5f: {  	_ =	shalt  }
0x60: {  	_ =	shalt  }
0x61: {  	_ =	shalt  }
0x62: {  	_ =	shalt  }
0x63: {  	_ =	shalt  }
0x64: {  	_ =	shalt  }
0x65: {  	_ =	shalt  }
0x66: {  	_ =	shalt  }
0x67: {  	_ =	shalt  }
0x68: {  	_ =	shalt  }
0x69: {  	_ =	shalt  }
0x6a: {  	_ =	shalt  }
0x6b: {  	_ =	shalt  }
0x6c: {  	_ =	shalt  }
0x6d: {  	_ =	shalt  }
0x6e: {  	_ =	shalt  }
0x6f: {  	_ =	shalt  }
0x70: {  	_ =	shalt  }
0x71: {  	_ =	shalt  }
0x72: {  	_ =	shalt  }
0x73: {  	_ =	shalt  }
0x74: {  	_ =	shalt  }
0x75: {  	_ =	shalt  }
0x76: {  	_ =	shalt  }
0x77: {  	_ =	shalt  }
0x78: {  	_ =	shalt  }
0x79: {  	_ =	shalt  }
0x7a: {  	_ =	shalt  }
0x7b: {  	_ =	shalt  }
0x7c: {  	_ =	shalt  }
0x7d: {  	_ =	shalt  }
0x7e: {  	_ =	shalt  }
0x7f: {  	_ =	shalt  }
0x80: {  	_ =	shalt  }
0x81: {  	_ =	shalt  }
0x82: {  	_ =	shalt  }
0x83: {  	_ =	shalt  }
0x84: {  	_ =	shalt  }
0x85: {  	_ =	shalt  }
0x86: {  	_ =	shalt  }
0x87: {  	_ =	shalt  }
.Lfunc_end0:
.L_simem_size_0:
called_computation_lowered:
.L_overlay_start_0:
0x88: {  	s0 =	sld [smem:$0x3FD9]  }
0x89: {  	s1 =	sld [smem:$0x3FFE];
	_ =	sdelay $0x3  }
0x8a: {  	s0 =	sadd.s32 s1, s0  }
0x8b: {  	[smem:$0x3FC2] =	sst s0  }
0x8c: {  	_ = 	snop  }
0x8d: {  	s0 =	sld [smem:$0x3FC9]  }
0x8e: {  	s16 =	sld [smem:$0x3FC8]  }
0x8f: {  	s2 =	sld [smem:$0x3FD0];
	(tm) =	ssettm $0x1  }
0x90: {  	s3 =	sld [smem:$0x3FFB];
	_ =	sdelay $0x3  }
0x91: {  	_ =	strace s3  }
0x92: {  	s3 =	sld [smem:$0x3FFC];
	_ =	sdelay $0x3  }
0x93: {  	_ =	strace s3  }
0x94: {  	s3 =	sld [smem:$0x3FFD];
	_ =	sdelay $0x3  }
0x95: {  	_ =	strace s3  }
0x96: {  	_ =	strace $0x8FFFFFFF  }
0x97: {  	s17 =	sld [smem:$0x3FDB];
	_ =	sdelay $0x1  }
0x98: {  	s4 =	simm.s32 $_scs_section_size  }
0x99: {  	s5 =	simm.s32 $_size__tile_overlayer_lowered;
	s6 =	simm.s32 $_tile_overlayer_lowered  }
0x9a: {  	s20 =	simm.s32 $0x1BFF;
	s19 =	sshll.u32 s6, $0x1;
	s3 =	sadd.s32 s4, s17  }
0x9b: {  	s7 =	simm.s32 $0x0;
	s18 =	sshll.u32 s5, $0x1;
	s5 =	sadd.s32 s19, s3  }
0x9c: {  	[timem:s7], [sflag:s20] =	dma.local [hbm:s5], s18  }
0x9d: {  	_ =	swait.ge [sflag:s20], s18  }
0x9e: {  	s4 =	ssub.s32 $0x0, s18;
	[sflag:s20] =	ssyncset.done $0x0  }
0x9f: {  	[sflag:s20] =	ssyncadd.s32 s4;
	_ =	sdelay $0x1  }
0xa0: {  	s21 =	simm.s32 $0x1B8B  }
0xa1: {  	_ =	swait.ge [sflag:s21], $0x1  }
0xa2: {  	[sflag:s21] =	ssyncset.done $0x0  }
0xa3: {  	s23 =	simm.s32 $0x1B8E;
	s22 =	sld [smem:$0x3FFE];
	[sflag:s21] =	ssyncadd.s32 $0xFFFFFFFF  }
0xa4: {  	s24 =	simm.s32 $execute0_lowered;
	[smem:$0x3FD2] =	sst s23  }
0xa5: {  	s5 =	sshll.u32 s24, $0x1;
	_ =	strace $0x80000046;
	[dreg:$0x1] =	wrdreg $0xFFFFFFFF  }
0xa6: {  	s25 =	simm.s32 $_size_execute0_lowered;
	s3 =	sadd.s32 s3, s5;
	[dreg:$0x0] =	wrdreg $0x0  }
0xa7: {  	s5 =	sshll.u32 s25, $0x1;
	[dreg:$0x2] =	wrdreg s3  }
0xa8: {  	[dreg:$0x3] =	wrdreg s5  }
0xa9: {  	[dreg:$0x4] =	wrdreg $0xC0  }
0xaa: {  	_ =	task [dreg:s7], $0x5FFFF  }
0xab: {  	[dreg:$0x1] =	wrdreg $0xFFFFFFFF  }
0xac: {  	[dreg:$0x0] =	wrdreg $0x60  }
0xad: {  	[dreg:$0x2] =	wrdreg s0  }
0xae: {  	[dreg:$0x3] =	wrdreg s16  }
0xaf: {  	[dreg:$0x4] =	wrdreg s22  }
0xb0: {  	[dreg:$0x5] =	wrdreg s2  }
0xb1: {  	[dreg:$0x6] =	wrdreg $0x9  }
0xb2: {  	_ =	task.clear_ibuf [dreg:s7], $0x7FFFF;
	_ =	strace $0x90000046  }
0xb3: {  	s26 =	simm.s32 $0x9;
	_ =	strace $0x80000048  }
0xb4: {  	_ =	swait.ge [sflag:s26], $0x1  }
0xb5: {  	[sflag:s26] =	ssyncadd.s32 $0xFFFFFFFF  }
0xb6: {  	_ =	strace $0x90000048  }
0xb7: {  	_ =	sfence  }
0xb8: {  	s28 =	sld [smem:$0x0];
	_ =	sdelay $0x1  }
0xb9: {  	s29 =	srdreg.scid  }
0xba: {  	s30 =	sshll.u32 s29, $0xD;
	s31 =	sshrl.u32 s29, $0x2  }
0xbb: {  	s1 =	sand.u32 $0x1, s29;
	s2 =	sand.u32 $0x4000, s30;
	s0 =	sadd.s32 s31, s28  }
0xbc: {  	s1 =	sor.u32 s2, s1;
	s0 =	sshll.u32 s0, $0x11  }
0xbd: {  	s0 =	sor.u32 s0, s1  }
0xbe: {  	s0 =	sadd.s32 $0x8F2B, s0  }
0xbf: {  	[sflag:s0] =	ssyncadd.remote.s32 $0x1  }
0xc0: {  	_ =	sfence.sel $0xFFFF  }
0xc1: {  	[dreg:$0x0] =	wrdreg $0xFFFFFFFF;
	(pc) =	sbr.abs _section_cstart, $3  }
0xc2: {  	[dreg:$0x1] =	wrdreg $0xFFFFFFFF  }
0xc3: {  	_ =	task.clear_ibuf [dreg:s7], $0x2FFFF;
	_ =	strace $0x9FFFFFFF  }
0xc4: {  	(tm) =	ssettm $0x7FFFFFFF  }
0xc5: {  	_ =	shalt  }
tec
execute0_lowered:
.L_overlay_start_1:
0x0: {  	(tag) =	ssettag $0x1  }
0x1: {  	s4 =	rddreg [dreg:$0x0]  }
0x2: {  	s5 =	rddreg [dreg:$0x1]  }
0x3: {  	s3 =	rddreg [dreg:$0x2]  }
0x4: {  	s2 =	rddreg [dreg:$0x3]  }
0x5: {  	s0 =	rddreg [dreg:$0x4];
	s6 =	simm.s32 $0x0  }
0x6: {  	s1 =	stileid.u32;
	[smem:$0x7FF] =	sst s6  }
0x7: {  	s7 =	sadd.s32 $0xC00, s3;
	s3 =	smul.u32 $0x190, s1;
	_ =	strace $0x80000047  }
0x8: {  	[tilespmem:s6], [sflag:$0x1] =	stream.linear.gather [hbm4b:s7+s6], $0x80, $0x38;
	[tilespmem:$0x2600] =	vst v63  }
0x9: {  	s25 =	simm.s32 $0x80;
	s4 =	sadd.s32 s4, s3  }
0xa: {  	[tilespmem:s25], [sflag:$0x2] =	stream.linear.gather [hbm4b:s4+s6], $0xC80, $0x38;
	[tilespmem:$0x2600] =	vst v63  }
0xb: {  	s28 =	simm.s32 $0xD00;
	s29 =	simm.s32 $0x1;
	s26 =	sadd.s32 s5, s3  }
0xc: {  	[tilespmem:s28], [sflag:$0x3] =	stream.linear.gather [hbm4b:s26+s6], $0xC80, $0x38;
	[tilespmem:$0x2600] =	vst v63  }
0xd: {  	_ =	swait.ge [sflag:s29], $0x80  }
0xe: {  	[sflag:s29] =	ssyncset.done $0x0  }
0xf: {  	s30 =	simm.s32 $0x2;
	[sflag:s29] =	ssyncadd.s32 $0xFFFFFF80  }
0x10: {  	v0 =	vld.msk [tilespmem:$0x0 ss:$0x0], $0xffff;
	_ =	swait.ge [sflag:s30], $0xC80  }
0x11: {  	[sflag:s30] =	ssyncset.done $0x0  }
0x12: {  	s31 =	simm.s32 $0x3;
	[sflag:s30] =	ssyncadd.s32 $0xFFFFF380  }
0x13: {  	_ =	swait.ge [sflag:s31], $0xC80  }
0x14: {  	[sflag:s31] =	ssyncset.done $0x0  }
0x15: {  	s4 =	simm.s32 $0x0;
	[sflag:s31] =	ssyncadd.s32 $0xFFFFF380  }
0x16: {  	v8 =	vld [tilespmem:s4+$0xF0]  }
0x17: {  	v6 =	vld [tilespmem:s4+$0x80]  }
0x18: {  	v5 =	vld [tilespmem:s4+$0x90]  }
0x19: {  	v9 =	vld [tilespmem:s4+$0xD70]  }
0x1a: {  	v3 =	vld [tilespmem:s4+$0xC0]  }
0x1b: {  	v7 =	vld [tilespmem:s4+$0xA0]  }
0x1c: {  	v4 =	vld [tilespmem:s4+$0xB0]  }
0x1d: {  	v14 =	vld [tilespmem:s4+$0xD00];
	v1 =	vadd.f32 $-2.000000000e+00, v8  }
0x1e: {  	v2 =	vld [tilespmem:s4+$0xD0];
	v10 =	vadd.f32 $-2.000000000e+00, v6;
	v12 =	vadd.f32 $-2.000000000e+00, v5  }
0x1f: {  	vm1 =	vlt.f32 v9, $5.000000000e-01;
	v16 =	vadd.f32 $-2.000000000e+00, v3;
	v11 =	vand.u32 $0x7FFFFFFF, v1;
	v1 =	vld [tilespmem:s4+$0xE0]  }
0x20: {  	v15 =	vld [tilespmem:s4+$0xD10];
	v9 =	vand.u32 $0x7FFFFFFF, v10;
	v10 =	vadd.f32 $-2.000000000e+00, v7;
	vm0 =	vle.f32 v11, $2.001000030e-05  }
0x21: {  	v11 =	vand.u32 $0x7FFFFFFF, v12;
	v12 =	vadd.f32 $-2.000000000e+00, v4;
	vm0 =	vmand vm1, vm0  }
0x22: {  	vm6 =	vlt.f32 v14, $5.000000000e-01;
	vm2 =	vle.f32 v11, $2.001000030e-05;
	v13 =	vsel vm0, v0, v8;
	v8 =	vld [tilespmem:s4+$0xD20]  }
0x23: {  	vm0 =	vle.f32 v9, $2.001000030e-05;
	v9 =	vand.u32 $0x7FFFFFFF, v10;
	v11 =	vand.u32 $0x7FFFFFFF, v12;
	v10 =	vld [tilespmem:s4+$0xD30]  }
0x24: {  	v12 =	vadd.f32 $-2.000000000e+00, v2;
	vm3 =	vle.f32 v9, $2.001000030e-05;
	v9 =	vld [tilespmem:s4+$0xD40];
	v63 =	vadd.f32 $-2.000000000e+00, v1  }
0x25: {  	vm5 =	vlt.f32 v15, $5.000000000e-01;
	[tilespmem:s4+$0x19F0] =	vst v13;
	v13 =	vand.u32 $0x7FFFFFFF, v16;
	vm4 =	vle.f32 v11, $2.001000030e-05;
	v11 =	vld [tilespmem:s4+$0xD50]  }
0x26: {  	s5 =	simm.s32 $0x80;
	s6 =	simm.s32 $0x400;
	vm1 =	vle.f32 v13, $2.001000030e-05;
	v13 =	vand.u32 $0x7FFFFFFF, v12;
	v12 =	vld [tilespmem:s4+$0xD60];
	v14 =	vand.u32 $0x7FFFFFFF, v63  }
.LBB2_1:
0x27: {  	p0 =	sne.s32 s6, $0x3000;
	v15 =	vld [tilespmem:s5+$0xF0];
	vm7 =	vlt.f32 v8, $5.000000000e-01;
	vm8 =	vle.f32 v13, $2.001000030e-05;
	vm9 =	vle.f32 v14, $2.001000030e-05  }
0x28: {  	vm0 =	vmand vm6, vm0;
	vm2 =	vmand vm5, vm2;
	v8 =	vld [tilespmem:s5+$0x80];
	vm5 =	vlt.f32 v10, $5.000000000e-01  }
0x29: {  	vm3 =	vmand vm7, vm3;
	v10 =	vld [tilespmem:s5+$0x90];
	vm4 =	vmand vm5, vm4;
	vm5 =	vlt.f32 v9, $5.000000000e-01  }
0x2a: {  	v6 =	vsel vm0, v0, v6;
	v9 =	vld [tilespmem:s5+$0xD70];
	vm0 =	vmand vm5, vm1;
	vm1 =	vlt.f32 v11, $5.000000000e-01  }
0x2b: {  	v5 =	vsel vm2, v0, v5;
	v11 =	vld [tilespmem:s5+$0xA0];
	[tilespmem:s4+$0x1980] =	vst v6;
	vm2 =	vmand vm1, vm8;
	vm1 =	vlt.f32 v12, $5.000000000e-01  }
0x2c: {  	v16 =	vsel vm3, v0, v7;
	v12 =	vld [tilespmem:s5+$0xB0];
	v13 =	vadd.f32 $-2.000000000e+00, v15;
	[tilespmem:s4+$0x1990] =	vst v5;
	vm1 =	vmand vm1, vm9  }
0x2d: {  	v4 =	vsel vm4, v0, v4;
	v14 =	vsel vm0, v0, v3;
	v17 =	vadd.f32 $-2.000000000e+00, v8;
	[tilespmem:s4+$0x19A0] =	vst v16;
	v3 =	vld [tilespmem:s5+$0xC0];
	v6 =	vmovc v8  }
0x2e: {  	v8 =	vadd.f32 $-2.000000000e+00, v10;
	v13 =	vand.u32 $0x7FFFFFFF, v13;
	[tilespmem:s4+$0x19B0] =	vst v4;
	v4 =	vsel vm2, v0, v2;
	v2 =	vld [tilespmem:s5+$0xD0];
	v5 =	vmovc v10  }
0x2f: {  	v10 =	vand.u32 $0x7FFFFFFF, v17;
	v16 =	vld [tilespmem:s5+$0xE0];
	vm0 =	vle.f32 v13, $2.001000030e-05;
	vm2 =	vlt.f32 v9, $5.000000000e-01;
	[tilespmem:s4+$0x19C0] =	vst v14  }
0x30: {  	v14 =	vld [tilespmem:s5+$0xD00];
	v9 =	vand.u32 $0x7FFFFFFF, v8;
	v8 =	vadd.f32 $-2.000000000e+00, v11;
	vm2 =	vmand vm2, vm0;
	[tilespmem:s4+$0x19D0] =	vst v4;
	v7 =	vmovc v11  }
0x31: {  	vm0 =	vle.f32 v10, $2.001000030e-05;
	v17 =	vld [tilespmem:s5+$0xD10];
	v10 =	vadd.f32 $-2.000000000e+00, v12;
	v11 =	vsel vm2, v0, v15;
	v4 =	vmovc v12  }
.Ltmp0:
0x32: {  	v15 =	vsel vm1, v0, v1;
	v12 =	vand.u32 $0x7FFFFFFF, v8;
	v8 =	vld [tilespmem:s5+$0xD20];
	v13 =	vadd.f32 $-2.000000000e+00, v3;
	[tilespmem:s5+$0x19F0] =	vst v11;
	(pc) =	sbr.rel @p0 .LBB2_1-.Ltmp0, $4  }
0x33: {  	vm2 =	vle.f32 v9, $2.001000030e-05;
	v11 =	vand.u32 $0x7FFFFFFF, v10;
	v10 =	vld [tilespmem:s5+$0xD30];
	v18 =	vadd.f32 $-2.000000000e+00, v2  }
0x34: {  	vm3 =	vle.f32 v12, $2.001000030e-05;
	v12 =	vand.u32 $0x7FFFFFFF, v13;
	v9 =	vld [tilespmem:s5+$0xD40];
	v19 =	vadd.f32 $-2.000000000e+00, v16;
	v1 =	vmovc v16  }
0x35: {  	vm4 =	vle.f32 v11, $2.001000030e-05;
	vm1 =	vle.f32 v12, $2.001000030e-05;
	v13 =	vand.u32 $0x7FFFFFFF, v18;
	v11 =	vld [tilespmem:s5+$0xD50];
	[tilespmem:s4+$0x19E0] =	vst v15;
	s4 =	smov.u32 s5  }
0x36: {  	s5 =	sshra.s32 s6, $0x2;
	s6 =	sadd.s32 $0x200, s6;
	vm6 =	vlt.f32 v14, $5.000000000e-01;
	vm5 =	vlt.f32 v17, $5.000000000e-01;
	v14 =	vand.u32 $0x7FFFFFFF, v19;
	v12 =	vld [tilespmem:s4+$0xD60]  }
0x37: {  	v15 =	vld [tilespmem:s5+$0xF0]  }
0x38: {  	v16 =	vld [tilespmem:s5+$0x80];
	vm0 =	vmand vm6, vm0;
	vm10 =	vmand vm5, vm2;
	vm11 =	vlt.f32 v8, $5.000000000e-01  }
0x39: {  	v17 =	vld [tilespmem:s5+$0x90];
	vm15 =	vle.f32 v13, $2.001000030e-05;
	vm9 =	vle.f32 v14, $2.001000030e-05;
	v6 =	vsel vm0, v0, v6  }
0x3a: {  	v19 =	vld [tilespmem:s5+$0xA0];
	v5 =	vsel vm10, v0, v5;
	vm12 =	vmand vm11, vm3;
	vm13 =	vlt.f32 v10, $5.000000000e-01  }
0x3b: {  	v18 =	vld [tilespmem:s5+$0xD70];
	v33 =	vsel vm12, v0, v7;
	vm14 =	vmand vm13, vm4;
	vm8 =	vlt.f32 v9, $5.000000000e-01  }
0x3c: {  	[tilespmem:s4+$0x1980] =	vst v6;
	v4 =	vsel vm14, v0, v4;
	vm1 =	vmand vm8, vm1;
	vm10 =	vlt.f32 v11, $5.000000000e-01  }
0x3d: {  	v6 =	vld [tilespmem:s5+$0xB0];
	[tilespmem:s4+$0x1990] =	vst v5;
	vm11 =	vlt.f32 v12, $5.000000000e-01;
	v3 =	vsel vm1, v0, v3;
	vm12 =	vmand vm10, vm15  }
0x3e: {  	v34 =	vld [tilespmem:s5+$0xC0];
	[tilespmem:s4+$0x19A0] =	vst v33;
	v35 =	vadd.f32 $-2.000000000e+00, v15;
	vm0 =	vmand vm11, vm9;
	v37 =	vadd.f32 $-2.000000000e+00, v16  }
0x3f: {  	v5 =	vld [tilespmem:s5+$0xD0];
	[tilespmem:s4+$0x19B0] =	vst v4;
	v38 =	vadd.f32 $-2.000000000e+00, v17;
	v2 =	vsel vm12, v0, v2;
	v41 =	vadd.f32 $-2.000000000e+00, v19  }
0x40: {  	vm14 =	vlt.f32 v18, $5.000000000e-01;
	v36 =	vld [tilespmem:s5+$0xE0];
	[tilespmem:s4+$0x19C0] =	vst v3;
	v1 =	vsel vm0, v0, v1;
	v4 =	vand.u32 $0x7FFFFFFF, v35  }
0x41: {  	v39 =	vld [tilespmem:s5+$0xD00];
	v9 =	vand.u32 $0x7FFFFFFF, v37;
	[tilespmem:s4+$0x19D0] =	vst v2;
	v40 =	vand.u32 $0x7FFFFFFF, v38;
	v3 =	vand.u32 $0x7FFFFFFF, v41  }
0x42: {  	vm13 =	vle.f32 v4, $2.001000030e-05;
	v42 =	vld [tilespmem:s5+$0xD10];
	vm15 =	vle.f32 v9, $2.001000030e-05;
	v43 =	vadd.f32 $-2.000000000e+00, v6  }
0x43: {  	v45 =	vld [tilespmem:s5+$0xD20];
	vm0 =	vle.f32 v40, $2.001000030e-05;
	vm1 =	vmand vm14, vm13;
	v46 =	vadd.f32 $-2.000000000e+00, v34  }
0x44: {  	v48 =	vld [tilespmem:s5+$0xD30];
	v44 =	vsel vm1, v0, v15;
	v47 =	vand.u32 $0x7FFFFFFF, v43;
	v49 =	vadd.f32 $-2.000000000e+00, v5  }
0x45: {  	v51 =	vld [tilespmem:s5+$0xD40];
	vm1 =	vle.f32 v3, $2.001000030e-05;
	v50 =	vand.u32 $0x7FFFFFFF, v46;
	v52 =	vadd.f32 $-2.000000000e+00, v36  }
0x46: {  	[tilespmem:s5+$0x19F0] =	vst v44;
	vm3 =	vle.f32 v47, $2.001000030e-05;
	vm12 =	vle.f32 v50, $2.001000030e-05;
	v53 =	vand.u32 $0x7FFFFFFF, v49  }
0x47: {  	v54 =	vld [tilespmem:s5+$0xD50];
	[tilespmem:s4+$0x19E0] =	vst v1;
	vm13 =	vlt.f32 v39, $5.000000000e-01;
	vm14 =	vlt.f32 v42, $5.000000000e-01;
	v55 =	vand.u32 $0x7FFFFFFF, v52  }
0x48: {  	v56 =	vld [tilespmem:s5+$0xD60];
	vm7 =	vlt.f32 v45, $5.000000000e-01;
	vm8 =	vle.f32 v53, $2.001000030e-05;
	vm2 =	vmand vm13, vm15  }
0x49: {  	vm6 =	vlt.f32 v48, $5.000000000e-01;
	vm0 =	vmand vm14, vm0;
	v57 =	vsel vm2, v0, v16  }
0x4a: {  	vm10 =	vlt.f32 v51, $5.000000000e-01;
	vm1 =	vmand vm7, vm1;
	[tilespmem:s5+$0x1980] =	vst v57;
	v58 =	vsel vm0, v0, v17  }
0x4b: {  	vm15 =	vle.f32 v55, $2.001000030e-05;
	vm9 =	vmand vm6, vm3;
	v59 =	vsel vm1, v0, v19;
	[tilespmem:s5+$0x1990] =	vst v58  }
0x4c: {  	vm11 =	vmand vm10, vm12;
	vm12 =	vlt.f32 v54, $5.000000000e-01;
	v60 =	vsel vm9, v0, v6;
	[tilespmem:s5+$0x19A0] =	vst v59  }
0x4d: {  	vm13 =	vmand vm12, vm8;
	v61 =	vsel vm11, v0, v34;
	[tilespmem:s5+$0x19B0] =	vst v60;
	vm14 =	vlt.f32 v56, $5.000000000e-01  }
0x4e: {  	v62 =	vsel vm13, v0, v5;
	[tilespmem:s5+$0x19C0] =	vst v61;
	vm15 =	vmand vm14, vm15  }
0x4f: {  	s2 =	sadd.s32 s2, s3;
	[tilespmem:s5+$0x19D0] =	vst v62;
	v63 =	vsel vm15, v0, v36  }
0x50: {  	s29 =	simm.s32 $0x0;
	s30 =	simm.s32 $0x1980;
	s31 =	simm.s32 $0x4;
	[tilespmem:s5+$0x19E0] =	vst v63  }
0x51: {  	[hbm4b:s2+s29] =	stream.linear.scatter [tilespmem:s30], [sflag:$0x4], $0xC80, $0x38;
	[tilespmem:$0x2600] =	vst v63  }
0x52: {  	_ =	swait.ge [sflag:s31], $0xC80  }
0x53: {  	[sflag:s31] =	ssyncset.done $0x0  }
0x54: {  	[sflag:s31] =	ssyncadd.s32 $0xFFFFF380  }
0x55: {  	_ =	sfence.sel $0x180000  }
0x56: {  	[bflag:$0x0] =	sbarrier.arrive $0xFFFF  }
0x57: {  	p0 =	sne.s32 s1, $0x0;
	_ =	strace $0x90000047  }
0x58: {  	s0 =	sadd.s32 @!p0 $0x100000, s0;
	[bflag:$0x2] =	sbarrier.arrive $0xFFFF  }
0x59: {  	[sflag:s0] =	ssyncadd.tile.s32 @!p0 $0x1;
	_ =	shalt  }
.Lfunc_end2:
_tile_overlayer_lowered:
.L_overlay_start_2:
0x5a: {  	(tag) =	ssettag $0x2  }
0x5b: {  	s0 =	rddreg [dreg:$0x0];
	s2 =	stileid.u32  }
0x5c: {  	s1 =	rddreg [dreg:$0x1];
	p0 =	sne.s32 s2, $0x0  }
0x5d: {  	s3 =	rddreg [dreg:$0x2];
	[bflag:$0x3] =	sbarrier.arrive $0xFFFF;
	s2 =	simm.s32 @!p0 $0x1C04  }
0x5e: {  	[timem:s3], [sflag:s2] =	dma.local @!p0 [hbm:s0], s1  }
0x5f: {  	s0 =	simm.s32 @!p0 $0x4  }
0x60: {  	_ =	swait.ge @!p0 [sflag:s0], s1  }
0x61: {  	s1 =	ssub.s32 @!p0 $0x0, s1;
	[sflag:s0] =	ssyncset.done @!p0 $0x0  }
0x62: {  	[sflag:s0] =	ssyncadd.s32 @!p0 s1  }
0x63: {  	[bflag:$0x3] =	sbarrier.arrive $0xFFFF  }
0x64: {  	_ =	shalt  }

</sc_bundles>
